<compile_context>
chip_gen: v7x
topology: tpu7x:2x2x1
jax: 0.10.2.dev20260603
libtpu: 0.0.44.dev20260713+nightly
codegen_flags: <defaults>
</compile_context>

<pallas_src>
import functools

import jax
import jax.numpy as jnp
from jax import lax
from jax.experimental import pallas as pl
from jax.experimental.pallas import tpu as pltpu
from jax.experimental.pallas import tpu_sc as plsc

Q_LEN = 2048
K_LEN = 2048
EMB = 64
NWORKERS = 32
PAIRS_PER_WORKER = Q_LEN // 2 // NWORKERS


def _sc_body(rev_hbm, out_hbm, rev_sh, sem_a, sem_b):
    s = lax.axis_index("s")
    c = lax.axis_index("c")
    wid = s * 2 + c

    @pl.when(s == 0)
    def _():
        pltpu.sync_copy(rev_hbm, rev_sh)

    plsc.subcore_barrier()

    def pair(p, carry):
        a = pltpu.make_async_copy(
            rev_sh.at[pl.ds(K_LEN - 1 - 2 * p, K_LEN), :],
            out_hbm.at[2 * p], sem_a)
        b = pltpu.make_async_copy(
            rev_sh.at[pl.ds(K_LEN - 2 - 2 * p, K_LEN), :],
            out_hbm.at[2 * p + 1], sem_b)
        a.start()
        b.start()
        a.wait()
        b.wait()
        return carry

    lax.fori_loop(wid * PAIRS_PER_WORKER, (wid + 1) * PAIRS_PER_WORKER,
                  pair, 0)


_sc_call = functools.partial(
    pl.kernel,
    out_type=jax.ShapeDtypeStruct((Q_LEN, K_LEN, EMB), jnp.float32),
    mesh=plsc.VectorSubcoreMesh(core_axis_name="c", subcore_axis_name="s"),
    scratch_types=[
        pltpu.VMEM_SHARED((2 * K_LEN, EMB), jnp.float32),
        pltpu.SemaphoreType.DMA,
        pltpu.SemaphoreType.DMA,
    ],
)(_sc_body)


def kernel(q, k, rel_emb):
    rev = jnp.flip(rel_emb, axis=0)
    return _sc_call(rev)

# --- scband reference (transcript-rebuilt; emitter-appended) ---
"""Pipeline reference for scband-relative-positional-embedding-3934190043329 (READ-ONLY COPY).

The authoritative reference and input builder live on the scoring server;
editing this copy changes nothing except your own understanding.
"""

import jax, jax.numpy as jnp
import numpy as np

CTX_LENGTH = 2048
EMB_DIM = 64

def setup_inputs(seed: int = 0) -> dict:
    key = jax.random.key(seed)
    k1, k2, k3 = jax.random.split(key, 3)
    q = jax.random.normal(k1, (1, 2048, 64), dtype=jnp.float32)
    k = jax.random.normal(k2, (1, 2048, 64), dtype=jnp.float32)
    rel_emb = jax.random.normal(k3, (2 * CTX_LENGTH, EMB_DIM), dtype=jnp.float32) * 0.02
    return {"q": q, "k": k, "rel_emb": rel_emb}

def reference(q, k, rel_emb):
    # Faithful translation of RelativePositionalEmbedding.forward
    q_len = q.shape[1]
    k_len = k.shape[1]
    position_ids = jnp.arange(q_len)[:, None] - jnp.arange(k_len)[None, :]
    position_ids = position_ids + CTX_LENGTH
    # embedding lookup -> gather rows from the table
    return jnp.take(rel_emb, position_ids, axis=0)

if __name__ == "__main__":
    import jax
    _d = setup_inputs()
    print(jax.jit(kernel)(*tuple(_d.values())))

</pallas_src>

<mosaic_0001>
#map = affine_map<(d0, d1) -> (0, 0)>
#map1 = affine_map<(d0, d1) -> (0, 0, 0)>
module attributes {stable_mosaic.version = 14 : i64} {
  func.func @_sc_body(%arg0: i32, %arg1: i32, %arg2: memref<4096x64xf32, #tpu.memory_space<hbm>>, %arg3: memref<2048x2048x64xf32, #tpu.memory_space<hbm>>, %arg4: memref<4096x64xf32, #tpu.memory_space<vmem_shared>>, %arg5: memref<!tpu.dma_semaphore, #tpu.memory_space<semaphore_mem>>, %arg6: memref<!tpu.dma_semaphore, #tpu.memory_space<semaphore_mem>>) attributes {dimension_semantics = [#tpu.dimension_semantics<core_parallel>, #tpu.dimension_semantics<subcore_parallel>], iteration_bounds = array<i64: 2, 16>, scalar_prefetch = 0 : i64, scratch_operands = 3 : i64, tpu.core_type = #tpu.core_type<sc_vector_subcore>, window_params = [{transform_indices = #map}, {transform_indices = #map1}]} {
    %mul3A = arith.constant 2 : i32
    %mul3A_0 = arith.muli %arg1, %mul3A : i32
    %add3A = arith.addi %mul3A_0, %arg0 : i32
    %eq3A = arith.constant 0 : i32
    %eq3A_1 = arith.cmpi eq, %arg1, %eq3A : i32
    %convert_element_type3A = arith.extui %eq3A_1 : i1 to i32
    %cond3A = arith.constant 0 : i32
    %cond3A_2 = arith.cmpi ne, %convert_element_type3A, %cond3A : i32
    scf.if %cond3A_2 {
      "tpu.region"() ({
        %run_scoped3A = tpu.sem_alloc : memref<!tpu.dma_semaphore, #tpu.memory_space<semaphore_mem>>
        tpu.enqueue_dma source(%arg2 : memref<4096x64xf32, #tpu.memory_space<hbm>>) target(%arg4 : memref<4096x64xf32, #tpu.memory_space<vmem_shared>>) target_semaphore(%run_scoped3A : memref<!tpu.dma_semaphore, #tpu.memory_space<semaphore_mem>>)
        tpu.wait_dma2 semaphore(%run_scoped3A : memref<!tpu.dma_semaphore, #tpu.memory_space<semaphore_mem>>) src(%arg2 : memref<4096x64xf32, #tpu.memory_space<hbm>>) dst(%arg4 : memref<4096x64xf32, #tpu.memory_space<vmem_shared>>)
        tpu.yield
      }) : () -> ()
    } else {
    }
    %barrier3A = arith.constant 0 : index
    tpu.barrier barrier_id(%barrier3A)
    %mul3A_3 = arith.constant 32 : i32
    %mul3A_4 = arith.muli %add3A, %mul3A_3 : i32
    %add3A_5 = arith.constant 1 : i32
    %add3A_6 = arith.addi %add3A, %add3A_5 : i32
    %mul3A_7 = arith.constant 32 : i32
    %mul3A_8 = arith.muli %add3A_6, %mul3A_7 : i32
    %while3A = arith.constant 0 : i32
    %while3A_9 = arith.subi %mul3A_8, %mul3A_4 : i32
    %while3A_10 = arith.addi %mul3A_4, %while3A_9 : i32
    %while3A_11 = arith.constant 1 : i32
    %while3A_12 = arith.divsi %while3A_9, %while3A_11 : i32
    %while3A_13 = arith.muli %while3A_12, %while3A_11 : i32
    %while3A_14 = arith.addi %mul3A_4, %while3A_13 : i32
    %while3A_15 = arith.constant 1 : i32
    scf.for %while3A_17 = %mul3A_4 to %while3A_14 step %while3A_15  : i32 {
      %mul3A_18 = arith.constant 2 : i32
      %mul3A_19 = arith.muli %mul3A_18, %while3A_17 : i32
      %sub3A = arith.constant 2047 : i32
      %sub3A_20 = arith.subi %sub3A, %mul3A_19 : i32
      %mul3A_21 = arith.constant 2 : i32
      %mul3A_22 = arith.muli %mul3A_21, %while3A_17 : i32
      %mul3A_23 = arith.constant 2 : i32
      %mul3A_24 = arith.muli %mul3A_23, %while3A_17 : i32
      %sub3A_25 = arith.constant 2046 : i32
      %sub3A_26 = arith.subi %sub3A_25, %mul3A_24 : i32
      %mul3A_27 = arith.constant 2 : i32
      %mul3A_28 = arith.muli %mul3A_27, %while3A_17 : i32
      %add3A_29 = arith.constant 1 : i32
      %add3A_30 = arith.addi %mul3A_28, %add3A_29 : i32
      %dma_start3A = arith.constant 0 : i32
      %dma_start3A_31 = arith.constant 0 : i32
      %dma_start3A_32 = tpu.memref_slice %arg3[%mul3A_22, %dma_start3A, %dma_start3A_31] : memref<2048x2048x64xf32, #tpu.memory_space<hbm>> -> memref<1x2048x64xf32, #tpu.memory_space<hbm>>
      %dma_start3A_33 = tpu.memref_squeeze %dma_start3A_32 : memref<1x2048x64xf32, #tpu.memory_space<hbm>> -> memref<2048x64xf32, #tpu.memory_space<hbm>>
      %dma_start3A_34 = arith.constant 0 : i32
      %dma_start3A_35 = tpu.memref_slice %arg4[%sub3A_20, %dma_start3A_34] : memref<4096x64xf32, #tpu.memory_space<vmem_shared>> -> memref<2048x64xf32, #tpu.memory_space<vmem_shared>>
      tpu.enqueue_dma source(%dma_start3A_35 : memref<2048x64xf32, #tpu.memory_space<vmem_shared>>) target(%dma_start3A_33 : memref<2048x64xf32, #tpu.memory_space<hbm>>) target_semaphore(%arg5 : memref<!tpu.dma_semaphore, #tpu.memory_space<semaphore_mem>>)
      %dma_start3A_36 = arith.constant 0 : i32
      %dma_start3A_37 = arith.constant 0 : i32
      %dma_start3A_38 = tpu.memref_slice %arg3[%add3A_30, %dma_start3A_36, %dma_start3A_37] : memref<2048x2048x64xf32, #tpu.memory_space<hbm>> -> memref<1x2048x64xf32, #tpu.memory_space<hbm>>
      %dma_start3A_39 = tpu.memref_squeeze %dma_start3A_38 : memref<1x2048x64xf32, #tpu.memory_space<hbm>> -> memref<2048x64xf32, #tpu.memory_space<hbm>>
      %dma_start3A_40 = arith.constant 0 : i32
      %dma_start3A_41 = tpu.memref_slice %arg4[%sub3A_26, %dma_start3A_40] : memref<4096x64xf32, #tpu.memory_space<vmem_shared>> -> memref<2048x64xf32, #tpu.memory_space<vmem_shared>>
      tpu.enqueue_dma source(%dma_start3A_41 : memref<2048x64xf32, #tpu.memory_space<vmem_shared>>) target(%dma_start3A_39 : memref<2048x64xf32, #tpu.memory_space<hbm>>) target_semaphore(%arg6 : memref<!tpu.dma_semaphore, #tpu.memory_space<semaphore_mem>>)
      %dma_wait3A = arith.constant 0 : i32
      %dma_wait3A_42 = arith.constant 0 : i32
      %dma_wait3A_43 = tpu.memref_slice %arg3[%mul3A_22, %dma_wait3A, %dma_wait3A_42] : memref<2048x2048x64xf32, #tpu.memory_space<hbm>> -> memref<1x2048x64xf32, #tpu.memory_space<hbm>>
      %dma_wait3A_44 = tpu.memref_squeeze %dma_wait3A_43 : memref<1x2048x64xf32, #tpu.memory_space<hbm>> -> memref<2048x64xf32, #tpu.memory_space<hbm>>
      %dma_wait3A_45 = arith.constant 0 : i32
      %dma_wait3A_46 = tpu.memref_slice %arg4[%sub3A_20, %dma_wait3A_45] : memref<4096x64xf32, #tpu.memory_space<vmem_shared>> -> memref<2048x64xf32, #tpu.memory_space<vmem_shared>>
      tpu.wait_dma2 semaphore(%arg5 : memref<!tpu.dma_semaphore, #tpu.memory_space<semaphore_mem>>) src(%dma_wait3A_46 : memref<2048x64xf32, #tpu.memory_space<vmem_shared>>) dst(%dma_wait3A_44 : memref<2048x64xf32, #tpu.memory_space<hbm>>)
      %dma_wait3A_47 = arith.constant 0 : i32
      %dma_wait3A_48 = arith.constant 0 : i32
      %dma_wait3A_49 = tpu.memref_slice %arg3[%add3A_30, %dma_wait3A_47, %dma_wait3A_48] : memref<2048x2048x64xf32, #tpu.memory_space<hbm>> -> memref<1x2048x64xf32, #tpu.memory_space<hbm>>
      %dma_wait3A_50 = tpu.memref_squeeze %dma_wait3A_49 : memref<1x2048x64xf32, #tpu.memory_space<hbm>> -> memref<2048x64xf32, #tpu.memory_space<hbm>>
      %dma_wait3A_51 = arith.constant 0 : i32
      %dma_wait3A_52 = tpu.memref_slice %arg4[%sub3A_26, %dma_wait3A_51] : memref<4096x64xf32, #tpu.memory_space<vmem_shared>> -> memref<2048x64xf32, #tpu.memory_space<vmem_shared>>
      tpu.wait_dma2 semaphore(%arg6 : memref<!tpu.dma_semaphore, #tpu.memory_space<semaphore_mem>>) src(%dma_wait3A_52 : memref<2048x64xf32, #tpu.memory_space<vmem_shared>>) dst(%dma_wait3A_50 : memref<2048x64xf32, #tpu.memory_space<hbm>>)
    }
    %while3A_16 = arith.constant 1 : i32
    scf.for %while3A_17 = %while3A_14 to %while3A_10 step %while3A_16  : i32 {
      %mul3A_18 = arith.constant 2 : i32
      %mul3A_19 = arith.muli %mul3A_18, %while3A_17 : i32
      %sub3A = arith.constant 2047 : i32
      %sub3A_20 = arith.subi %sub3A, %mul3A_19 : i32
      %mul3A_21 = arith.constant 2 : i32
      %mul3A_22 = arith.muli %mul3A_21, %while3A_17 : i32
      %mul3A_23 = arith.constant 2 : i32
      %mul3A_24 = arith.muli %mul3A_23, %while3A_17 : i32
      %sub3A_25 = arith.constant 2046 : i32
      %sub3A_26 = arith.subi %sub3A_25, %mul3A_24 : i32
      %mul3A_27 = arith.constant 2 : i32
      %mul3A_28 = arith.muli %mul3A_27, %while3A_17 : i32
      %add3A_29 = arith.constant 1 : i32
      %add3A_30 = arith.addi %mul3A_28, %add3A_29 : i32
      %dma_start3A = arith.constant 0 : i32
      %dma_start3A_31 = arith.constant 0 : i32
      %dma_start3A_32 = tpu.memref_slice %arg3[%mul3A_22, %dma_start3A, %dma_start3A_31] : memref<2048x2048x64xf32, #tpu.memory_space<hbm>> -> memref<1x2048x64xf32, #tpu.memory_space<hbm>>
      %dma_start3A_33 = tpu.memref_squeeze %dma_start3A_32 : memref<1x2048x64xf32, #tpu.memory_space<hbm>> -> memref<2048x64xf32, #tpu.memory_space<hbm>>
      %dma_start3A_34 = arith.constant 0 : i32
      %dma_start3A_35 = tpu.memref_slice %arg4[%sub3A_20, %dma_start3A_34] : memref<4096x64xf32, #tpu.memory_space<vmem_shared>> -> memref<2048x64xf32, #tpu.memory_space<vmem_shared>>
      tpu.enqueue_dma source(%dma_start3A_35 : memref<2048x64xf32, #tpu.memory_space<vmem_shared>>) target(%dma_start3A_33 : memref<2048x64xf32, #tpu.memory_space<hbm>>) target_semaphore(%arg5 : memref<!tpu.dma_semaphore, #tpu.memory_space<semaphore_mem>>)
      %dma_start3A_36 = arith.constant 0 : i32
      %dma_start3A_37 = arith.constant 0 : i32
      %dma_start3A_38 = tpu.memref_slice %arg3[%add3A_30, %dma_start3A_36, %dma_start3A_37] : memref<2048x2048x64xf32, #tpu.memory_space<hbm>> -> memref<1x2048x64xf32, #tpu.memory_space<hbm>>
      %dma_start3A_39 = tpu.memref_squeeze %dma_start3A_38 : memref<1x2048x64xf32, #tpu.memory_space<hbm>> -> memref<2048x64xf32, #tpu.memory_space<hbm>>
      %dma_start3A_40 = arith.constant 0 : i32
      %dma_start3A_41 = tpu.memref_slice %arg4[%sub3A_26, %dma_start3A_40] : memref<4096x64xf32, #tpu.memory_space<vmem_shared>> -> memref<2048x64xf32, #tpu.memory_space<vmem_shared>>
      tpu.enqueue_dma source(%dma_start3A_41 : memref<2048x64xf32, #tpu.memory_space<vmem_shared>>) target(%dma_start3A_39 : memref<2048x64xf32, #tpu.memory_space<hbm>>) target_semaphore(%arg6 : memref<!tpu.dma_semaphore, #tpu.memory_space<semaphore_mem>>)
      %dma_wait3A = arith.constant 0 : i32
      %dma_wait3A_42 = arith.constant 0 : i32
      %dma_wait3A_43 = tpu.memref_slice %arg3[%mul3A_22, %dma_wait3A, %dma_wait3A_42] : memref<2048x2048x64xf32, #tpu.memory_space<hbm>> -> memref<1x2048x64xf32, #tpu.memory_space<hbm>>
      %dma_wait3A_44 = tpu.memref_squeeze %dma_wait3A_43 : memref<1x2048x64xf32, #tpu.memory_space<hbm>> -> memref<2048x64xf32, #tpu.memory_space<hbm>>
      %dma_wait3A_45 = arith.constant 0 : i32
      %dma_wait3A_46 = tpu.memref_slice %arg4[%sub3A_20, %dma_wait3A_45] : memref<4096x64xf32, #tpu.memory_space<vmem_shared>> -> memref<2048x64xf32, #tpu.memory_space<vmem_shared>>
      tpu.wait_dma2 semaphore(%arg5 : memref<!tpu.dma_semaphore, #tpu.memory_space<semaphore_mem>>) src(%dma_wait3A_46 : memref<2048x64xf32, #tpu.memory_space<vmem_shared>>) dst(%dma_wait3A_44 : memref<2048x64xf32, #tpu.memory_space<hbm>>)
      %dma_wait3A_47 = arith.constant 0 : i32
      %dma_wait3A_48 = arith.constant 0 : i32
      %dma_wait3A_49 = tpu.memref_slice %arg3[%add3A_30, %dma_wait3A_47, %dma_wait3A_48] : memref<2048x2048x64xf32, #tpu.memory_space<hbm>> -> memref<1x2048x64xf32, #tpu.memory_space<hbm>>
      %dma_wait3A_50 = tpu.memref_squeeze %dma_wait3A_49 : memref<1x2048x64xf32, #tpu.memory_space<hbm>> -> memref<2048x64xf32, #tpu.memory_space<hbm>>
      %dma_wait3A_51 = arith.constant 0 : i32
      %dma_wait3A_52 = tpu.memref_slice %arg4[%sub3A_26, %dma_wait3A_51] : memref<4096x64xf32, #tpu.memory_space<vmem_shared>> -> memref<2048x64xf32, #tpu.memory_space<vmem_shared>>
      tpu.wait_dma2 semaphore(%arg6 : memref<!tpu.dma_semaphore, #tpu.memory_space<semaphore_mem>>) src(%dma_wait3A_52 : memref<2048x64xf32, #tpu.memory_space<vmem_shared>>) dst(%dma_wait3A_50 : memref<2048x64xf32, #tpu.memory_space<hbm>>)
    }
    return
  }
}

</mosaic_0001>

<sc_bundles>
// kernel: kernel.3.cloned.1.call-start
scs
__scs_entry_jumppad:
0x0: {  	(pc) =	sbr.rel $0x88, $3  }
0x1: {  	(tag) =	ssettag $0x0;
	lr =	simm.s32 $0x1  }
0x2: {  	[smem:$0x3FA0] =	sst lr;
	_ =	strace $0xD0000000  }
0x3: {  	_ = 	snop  }
0x4: {  	_ = 	snop  }
0x5: {  	_ = 	snop  }
0x6: {  	_ = 	snop  }
0x7: {  	_ = 	snop  }
__scs_overlays_trampoline_lowered:
0x8: {  	[smem:$0x3FAF] =	sst s0  }
0x9: {  	[smem:$0x3FB0] =	sst s1  }
0xa: {  	[smem:$0x3FB1] =	sst s2  }
0xb: {  	[smem:$0x3FB2] =	sst s3  }
0xc: {  	[smem:$0x3FB3] =	sst s4  }
0xd: {  	[smem:$0x3FB4] =	sst s5  }
0xe: {  	[smem:$0x3FB5] =	sst s6  }
0xf: {  	[smem:$0x3FB6] =	sst s7  }
0x10: {  	[smem:$0x3FB7] =	sst s8  }
0x11: {  	[smem:$0x3FB8] =	sst s9;
	s0 =	simm.s32 @!p0 $0x0  }
0x12: {  	s1 =	sld [smem:$0x3F9E];
	s0 =	simm.s32 @p0 $0x1  }
0x13: {  	[smem:$0x3FB9] =	sst s0;
	s0 =	simm.s32 @!p1 $0x0  }
0x14: {  	s2 =	sld [smem:$0x3F9D];
	s0 =	simm.s32 @p1 $0x1  }
0x15: {  	[smem:$0x3FBA] =	sst s0;
	s0 =	simm.s32 @!p2 $0x0  }
0x16: {  	s3 =	sld [smem:$0x3FDB];
	s0 =	simm.s32 @p2 $0x1  }
0x17: {  	s4 =	simm.s32 $0x1BF5;
	[smem:$0x3FBC] =	sst s0  }
0x18: {  	s0 =	sld [smem:$0x3F9F];
	_ =	swait.ge [sflag:s4], $0x0  }
0x19: {  	s7 =	sld [smem:$0x3FA0]  }
0x1a: {  	s8 =	sadd.s32 $0xFFFFE003, lr  }
0x1b: {  	s9 =	sadd.s32 $0xFFFFFEF7, lr;
	s5 =	simm.s32 $0xFFFFFFFF;
	p2 =	slt.u32 s8, $0xFFFFF086  }
0x1c: {  	p1 =	slt.u32 s9, $0xF7A;
	s5 =	simm.s32 @!p2 $0x0  }
0x1d: {  	s5 =	simm.s32 @p1 $0x1;
	p0 =	seq.s32 s7, s2  }
0x1e: {  	s7 =	smul.u32 @!p0 $0xF7A, s2;
	p2 =	seq.s32 @!p0 s5, $0x0  }
0x1f: {  	s9 =	smul.u32 $0xF7A, s1;
	s8 =	simm.s32 @!p0 $0x1BF5;
	p2 =	por !p2, p0  }
0x20: {  	[sflag:s8] =	ssyncset.s32 @!p0 $0xFFFFF086;
	s6 =	sadd.s32 @!p0 s3, s7;
	s7 =	simm.s32 @!p0 $0x108  }
0x21: {  	s3 =	sadd.s32 s3, s9;
	s6 =	sadd.s32 @!p0 $0x88, s6;
	s7 =	simm.s32 @p2 $0x1082  }
0x22: {  	[simem:s7], [sflag:s8] =	dma.local @!p0 [hbm:s6], $0xF7A  }
0x23: {  	s9 =	sor.u32 $0xD0000000, s2;
	s6 =	simm.s32 $0x108;
	_ =	swait.ge @!p0 [sflag:s8], $0x0  }
0x24: {  	s3 =	sadd.s32 $0x88, s3;
	s6 =	simm.s32 @!p1 $0x1082;
	[sflag:s4] =	ssyncset.s32 $0xFFFFF086  }
0x25: {  	[simem:s6], [sflag:s4] =	dma.local [hbm:s3], $0xF7A  }
0x26: {  	[smem:$0x3FA0] =	sst s1;
	(tag) =	ssettag s2;
	_ =	strace s9  }
0x27: {  	s1 =	sld [smem:$0x3FB0]  }
0x28: {  	s2 =	sld [smem:$0x3FB1]  }
0x29: {  	s4 =	sld [smem:$0x3FB3]  }
0x2a: {  	p0 =	seq.s32 s5, $0x0;
	s5 =	sld [smem:$0x3FB4]  }
0x2b: {  	s6 =	sld [smem:$0x3FB5]  }
0x2c: {  	s7 =	sld [smem:$0x3FB6]  }
0x2d: {  	s3 =	simm.s32 $0x108;
	s8 =	sld [smem:$0x3FB7]  }
0x2e: {  	s3 =	simm.s32 @!p0 $0x1082;
	s9 =	sld [smem:$0x3FB8]  }
0x2f: {  	lr =	sadd.s32 s0, s3;
	s0 =	sld [smem:$0x3FAF]  }
0x30: {  	s3 =	sld [smem:$0x3FB2]  }
0x31: {  	[smem:$0x3FBB] =	sst s10  }
0x32: {  	s10 =	sld [smem:$0x3FB9];
	_ =	sdelay $0x3  }
0x33: {  	p0 =	seq.s32 s10, $0x1;
	s10 =	sld [smem:$0x3FBB];
	_ =	sdelay $0x3  }
0x34: {  	[smem:$0x3FBB] =	sst s10  }
0x35: {  	s10 =	sld [smem:$0x3FBA];
	_ =	sdelay $0x3  }
0x36: {  	p1 =	seq.s32 s10, $0x1;
	s10 =	sld [smem:$0x3FBB];
	_ =	sdelay $0x3  }
0x37: {  	[smem:$0x3FBB] =	sst s10  }
0x38: {  	s10 =	sld [smem:$0x3FBC]  }
0x39: {  	_ = 	snop;
	(pc) =	sbr.ind lr, $3  }
0x3a: {  	_ = 	snop  }
0x3b: {  	_ = 	snop  }
0x3c: {  	p2 =	seq.s32 s10, $0x1;
	s10 =	sld [smem:$0x3FBB]  }
0x3d: {  	_ =	shalt  }
0x3e: {  	_ =	shalt  }
0x3f: {  	_ =	shalt  }
0x40: {  	_ =	shalt  }
0x41: {  	_ =	shalt  }
0x42: {  	_ =	shalt  }
0x43: {  	_ =	shalt  }
0x44: {  	_ =	shalt  }
0x45: {  	_ =	shalt  }
0x46: {  	_ =	shalt  }
0x47: {  	_ =	shalt  }
0x48: {  	_ =	shalt  }
0x49: {  	_ =	shalt  }
0x4a: {  	_ =	shalt  }
0x4b: {  	_ =	shalt  }
0x4c: {  	_ =	shalt  }
0x4d: {  	_ =	shalt  }
0x4e: {  	_ =	shalt  }
0x4f: {  	_ =	shalt  }
0x50: {  	_ =	shalt  }
0x51: {  	_ =	shalt  }
0x52: {  	_ =	shalt  }
0x53: {  	_ =	shalt  }
0x54: {  	_ =	shalt  }
0x55: {  	_ =	shalt  }
0x56: {  	_ =	shalt  }
0x57: {  	_ =	shalt  }
0x58: {  	_ =	shalt  }
0x59: {  	_ =	shalt  }
0x5a: {  	_ =	shalt  }
0x5b: {  	_ =	shalt  }
0x5c: {  	_ =	shalt  }
0x5d: {  	_ =	shalt  }
0x5e: {  	_ =	shalt  }
0x5f: {  	_ =	shalt  }
0x60: {  	_ =	shalt  }
0x61: {  	_ =	shalt  }
0x62: {  	_ =	shalt  }
0x63: {  	_ =	shalt  }
0x64: {  	_ =	shalt  }
0x65: {  	_ =	shalt  }
0x66: {  	_ =	shalt  }
0x67: {  	_ =	shalt  }
0x68: {  	_ =	shalt  }
0x69: {  	_ =	shalt  }
0x6a: {  	_ =	shalt  }
0x6b: {  	_ =	shalt  }
0x6c: {  	_ =	shalt  }
0x6d: {  	_ =	shalt  }
0x6e: {  	_ =	shalt  }
0x6f: {  	_ =	shalt  }
0x70: {  	_ =	shalt  }
0x71: {  	_ =	shalt  }
0x72: {  	_ =	shalt  }
0x73: {  	_ =	shalt  }
0x74: {  	_ =	shalt  }
0x75: {  	_ =	shalt  }
0x76: {  	_ =	shalt  }
0x77: {  	_ =	shalt  }
0x78: {  	_ =	shalt  }
0x79: {  	_ =	shalt  }
0x7a: {  	_ =	shalt  }
0x7b: {  	_ =	shalt  }
0x7c: {  	_ =	shalt  }
0x7d: {  	_ =	shalt  }
0x7e: {  	_ =	shalt  }
0x7f: {  	_ =	shalt  }
0x80: {  	_ =	shalt  }
0x81: {  	_ =	shalt  }
0x82: {  	_ =	shalt  }
0x83: {  	_ =	shalt  }
0x84: {  	_ =	shalt  }
0x85: {  	_ =	shalt  }
0x86: {  	_ =	shalt  }
0x87: {  	_ =	shalt  }
.Lfunc_end0:
.L_simem_size_0:
called_computation_lowered:
.L_overlay_start_0:
0x88: {  	s2 =	sld [smem:$0x3FD9]  }
0x89: {  	s3 =	sld [smem:$0x3FFE];
	_ =	sdelay $0x1  }
0x8a: {  	s1 =	srdreg.scid  }
0x8b: {  	s0 =	sand.u32 $0x1, s1  }
0x8c: {  	s17 =	sshll.u32 s0, $0xA;
	s2 =	sadd.s32 s3, s2  }
0x8d: {  	s2 =	sadd.s32 s2, s17  }
0x8e: {  	[smem:$0x3FC7] =	sst s2  }
0x8f: {  	_ = 	snop  }
0x90: {  	s2 =	sld [smem:$0x3FD0];
	(tm) =	ssettm $0x1  }
0x91: {  	s18 =	sld [smem:$0x3FFB];
	_ =	sdelay $0x3  }
0x92: {  	_ =	strace s18  }
0x93: {  	s3 =	sld [smem:$0x3FFC];
	_ =	sdelay $0x3  }
0x94: {  	_ =	strace s3  }
0x95: {  	s3 =	sld [smem:$0x3FFD];
	_ =	sdelay $0x3  }
0x96: {  	_ =	strace s3  }
0x97: {  	_ =	strace $0x8FFFFFFF  }
0x98: {  	s19 =	sld [smem:$0x3FDB];
	_ =	sdelay $0x1  }
0x99: {  	s4 =	simm.s32 $_scs_section_size  }
0x9a: {  	s5 =	simm.s32 $_size__tile_overlayer_lowered;
	s6 =	simm.s32 $_tile_overlayer_lowered  }
0x9b: {  	s22 =	simm.s32 $0x1BFF;
	s21 =	sshll.u32 s6, $0x1;
	s3 =	sadd.s32 s4, s19  }
0x9c: {  	s7 =	simm.s32 $0x0;
	s20 =	sshll.u32 s5, $0x1;
	s5 =	sadd.s32 s21, s3  }
0x9d: {  	[timem:s7], [sflag:s22] =	dma.local [hbm:s5], s20  }
0x9e: {  	_ =	swait.ge [sflag:s22], s20  }
0x9f: {  	s4 =	ssub.s32 $0x0, s20;
	[sflag:s22] =	ssyncset.done $0x0  }
0xa0: {  	[sflag:s22] =	ssyncadd.s32 s4;
	_ =	sdelay $0x1  }
0xa1: {  	s23 =	simm.s32 $0x1B8B  }
0xa2: {  	_ =	swait.ge [sflag:s23], $0x1  }
0xa3: {  	[sflag:s23] =	ssyncset.done $0x0  }
0xa4: {  	s25 =	simm.s32 $0x1B8E;
	s24 =	sld [smem:$0x3FFE];
	[sflag:s23] =	ssyncadd.s32 $0xFFFFFFFF  }
0xa5: {  	s26 =	simm.s32 $execute0_lowered;
	[smem:$0x3FD2] =	sst s25  }
0xa6: {  	s5 =	sshll.u32 s26, $0x1;
	_ =	strace $0x80000046;
	[dreg:$0x1] =	wrdreg $0xFFFFFFFF  }
0xa7: {  	s28 =	simm.s32 $_size_execute0_lowered;
	s3 =	sadd.s32 s3, s5;
	[dreg:$0x0] =	wrdreg $0x0  }
0xa8: {  	s5 =	sshll.u32 s28, $0x1;
	[dreg:$0x2] =	wrdreg s3  }
0xa9: {  	[dreg:$0x3] =	wrdreg s5  }
0xaa: {  	[dreg:$0x4] =	wrdreg $0xC0  }
0xab: {  	_ =	task [dreg:s7], $0x5FFFF  }
0xac: {  	[dreg:$0x1] =	wrdreg $0xFFFFFFFF  }
0xad: {  	[dreg:$0x0] =	wrdreg $0x60  }
0xae: {  	[dreg:$0x2] =	wrdreg s2  }
0xaf: {  	[dreg:$0x3] =	wrdreg s24  }
0xb0: {  	[dreg:$0x4] =	wrdreg $0x0  }
0xb1: {  	[dreg:$0x5] =	wrdreg $0x9  }
0xb2: {  	_ =	task.clear_ibuf [dreg:s7], $0x6FFFF;
	_ =	strace $0x90000046  }
0xb3: {  	s29 =	simm.s32 $0x9;
	_ =	strace $0x80000048  }
0xb4: {  	_ =	swait.ge [sflag:s29], $0x1  }
0xb5: {  	[sflag:s29] =	ssyncadd.s32 $0xFFFFFFFF  }
0xb6: {  	_ =	strace $0x90000048  }
0xb7: {  	_ =	sfence  }
0xb8: {  	s30 =	sld [smem:$0x0];
	_ =	sdelay $0x2  }
0xb9: {  	s31 =	sshll.u32 s1, $0xD;
	s1 =	sshrl.u32 s1, $0x2  }
0xba: {  	s3 =	sand.u32 $0x4000, s31;
	s1 =	sadd.s32 s1, s30  }
0xbb: {  	s0 =	sor.u32 s3, s0;
	s1 =	sshll.u32 s1, $0x11  }
0xbc: {  	s0 =	sor.u32 s1, s0  }
0xbd: {  	s0 =	sadd.s32 $0x8F2B, s0  }
0xbe: {  	[sflag:s0] =	ssyncadd.remote.s32 $0x1  }
0xbf: {  	_ =	sfence.sel $0xFFFF  }
0xc0: {  	[dreg:$0x0] =	wrdreg $0xFFFFFFFF;
	(pc) =	sbr.abs _section_cstart, $3  }
0xc1: {  	[dreg:$0x1] =	wrdreg $0xFFFFFFFF  }
0xc2: {  	_ =	task.clear_ibuf [dreg:s7], $0x2FFFF;
	_ =	strace $0x9FFFFFFF  }
0xc3: {  	(tm) =	ssettm $0x7FFFFFFF  }
tec
execute0_lowered:
.L_overlay_start_1:
0x0: {  	(tag) =	ssettag $0x1  }
0x1: {  	s1 =	rddreg [dreg:$0x0]  }
0x2: {  	s3 =	rddreg [dreg:$0x1]  }
0x3: {  	s8 =	rddreg [dreg:$0x2]  }
0x4: {  	s0 =	rddreg [dreg:$0x3];
	s2 =	simm.s32 $0x0;
	s7 =	stileid.u32  }
0x5: {  	s4 =	srdreg.scid;
	[smem:$0x7FF] =	sst s2  }
0x6: {  	s5 =	sshll.u32 s7, $0x16;
	s6 =	sand.u32 $0x1, s4;
	s10 =	sshll.u32 s7, $0x6  }
0x7: {  	s11 =	sshll.u32 s7, $0x10;
	p0 =	sne.s32 s7, $0x0;
	_ =	strace $0x80000047  }
0x8: {  	s9 =	sadd.s32 s5, s3;
	s4 =	ssub.s32 $0x2, s6;
	s25 =	sshll.u32 s6, $0x5  }
0x9: {  	s26 =	sshll.u32 s6, $0xF;
	s31 =	sshll.u32 s6, $0x15;
	s12 =	sshrl.u32 s4, $0x1  }
0xa: {  	s3 =	sor.u32 s25, s10;
	s5 =	sor.u32 s11, s26;
	s9 =	sadd.s32 s31, s9  }
0xb: {  	s11 =	simm.s32 $0x1;
	s28 =	ssub.s32 s4, s12;
	s4 =	sadd.s32 $0x20, s3  }
0xc: {  	s29 =	sxor.u32 $0xFFC00, s5;
	s7 =	sadd.s32 $0x400, s9;
	s9 =	sor.u32 $0x1C01, s10  }
0xd: {  	s10 =	sor.u32 $0x1C02, s10;
	s12 =	simm.s32 $0x2;
	s30 =	sshrl.u32 s29, $0x2  }
0xe: {  	s5 =	smax.u32 s28, $0x1;
	s6 =	sadd.s32 s30, s8;
	s8 =	sshrl.u32 @!p0 s8, $0x3  }
.LBB2_1:
0xf: {  	s13 =	simm.s32 @!p0 $0x1C03  }
0x10: {  	[spmem:s8], [sflag:s13] =	dma.local @!p0 [hbm:s1], $0x10000  }
0x11: {  	s13 =	simm.s32 @!p0 $0x3  }
0x12: {  	_ =	swait.ge @!p0 [sflag:s13], $0x10000  }
0x13: {  	[sflag:s13] =	ssyncset.done @!p0 $0x0  }
0x14: {  	[sflag:s13] =	ssyncadd.s32 @!p0 $0xFFFF0000;
	s13 =	sadd.s32 $0x1, s3  }
0x15: {  	p2 =	slt.u32 s13, s4  }
.Ltmp0:
0x16: {  	_ = 	snop;
	(pc) =	sbr.rel @!p2 .LBB2_2-.Ltmp0, $3  }
0x17: {  	_ =	sdelay $0x1  }
0x18: {  	[bflag:$0x0] =	sbarrier.arrive $0xFFFF  }
0x19: {  	s17 =	sadd.s32 $0x80, s6;
	s16 =	sshrl.u32 s6, $0x3;
	p1 =	por $0x0, $0x0  }
0x1a: {  	s14 =	sshrl.u32 s17, $0x3  }
0x1b: {  	[hbm:s7], [sflag:s9] =	dma.local [spmem:s14], $0x8000  }
0x1c: {  	s15 =	sadd.s32 $0x8000, s7;
	s14 =	sadd.s32 $0x1, s13  }
0x1d: {  	[hbm:s15], [sflag:s10] =	dma.local [spmem:s16], $0x8000  }
0x1e: {  	p2 =	slt.u32 s14, s4  }
.Ltmp1:
0x1f: {  	_ =	swait.ge [sflag:s11], $0x8000;
	(pc) =	sbr.rel @!p2 .LBB2_5-.Ltmp1, $4  }
0x20: {  	[sflag:s11] =	ssyncset.done $0x0  }
0x21: {  	p1 =	por $0x1, $0x1;
	[sflag:s11] =	ssyncadd.s32 $0xFFFF8000  }
0x22: {  	s13 =	sadd.s32 $0x10000, s7;
	s15 =	sadd.s32 $0xFFFFFF00, s6;
	_ =	swait.ge [sflag:s12], $0x8000  }
0x23: {  	s17 =	sadd.s32 $0x80, s15;
	s16 =	sshrl.u32 s15, $0x3;
	[sflag:s12] =	ssyncset.done $0x0  }
.LBB2_4:
0x24: {  	s17 =	sshrl.u32 s17, $0x3  }
0x25: {  	s18 =	sadd.s32 $0x8000, s13;
	[sflag:s12] =	ssyncadd.s32 $0xFFFF8000;
	s14 =	sadd.s32 $0x1, s14  }
0x26: {  	[hbm:s13], [sflag:s9] =	dma.local [spmem:s17], $0x8000  }
0x27: {  	p2 =	slt.u32 s14, s4  }
0x28: {  	[hbm:s18], [sflag:s10] =	dma.local [spmem:s16], $0x8000  }
.Ltmp2:
0x29: {  	_ =	swait.ge [sflag:s11], $0x8000;
	(pc) =	sbr.rel @p2 .LBB2_4-.Ltmp2, $4  }
0x2a: {  	[sflag:s11] =	ssyncset.done $0x0  }
0x2b: {  	[sflag:s11] =	ssyncadd.s32 $0xFFFF8000  }
0x2c: {  	s15 =	sadd.s32 $0xFFFFFF00, s15;
	s13 =	sadd.s32 $0x10000, s13;
	_ =	swait.ge [sflag:s12], $0x8000  }
0x2d: {  	s17 =	sadd.s32 $0x80, s15;
	s16 =	sshrl.u32 s15, $0x3;
	[sflag:s12] =	ssyncset.done $0x0  }
.LBB2_5:
0x2e: {  	s14 =	sshrl.u32 s17, $0x3  }
0x2f: {  	s15 =	sadd.s32 $0x8000, s13;
	[sflag:s12] =	ssyncadd.s32 @p1 $0xFFFF8000;
	s2 =	sadd.s32 $0x1, s2  }
0x30: {  	[hbm:s13], [sflag:s9] =	dma.local [spmem:s14], $0x8000  }
0x31: {  	[hbm:s15], [sflag:s10] =	dma.local [spmem:s16], $0x8000  }
0x32: {  	p1 =	sne.s32 s2, s5;
	_ =	swait.ge [sflag:s11], $0x8000  }
.Ltmp3:
0x33: {  	[sflag:s11] =	ssyncset.done $0x0;
	(pc) =	sbr.rel @p1 .LBB2_1-.Ltmp3, $4  }
.Ltmp4:
0x34: {  	[sflag:s11] =	ssyncadd.s32 $0xFFFF8000;
	(pc) =	sbr.rel @!p1 .LBB2_6-.Ltmp4, $4  }
0x35: {  	_ =	swait.ge [sflag:s12], $0x8000  }
0x36: {  	[sflag:s12] =	ssyncset.done $0x0  }
0x37: {  	[sflag:s12] =	ssyncadd.s32 $0xFFFF8000  }
0x38: {  	_ = 	snop  }
.LBB2_2:
.Ltmp5:
0x39: {  	(pc) =	sbr.rel .LBB2_5-.Ltmp5, $2  }
0x3a: {  	_ =	sdelay $0x2  }
0x3b: {  	s13 =	smov.u32 s7  }
.LBB2_6:
0x3c: {  	_ =	sfence.sel $0x180000  }
0x3d: {  	[bflag:$0x0] =	sbarrier.arrive $0xFFFF  }
0x3e: {  	_ =	strace $0x90000047  }
0x3f: {  	s0 =	sadd.s32 @!p0 $0x100000, s0;
	[bflag:$0x2] =	sbarrier.arrive $0xFFFF  }
0x40: {  	[sflag:s0] =	ssyncadd.tile.s32 @!p0 $0x1;
	_ =	shalt  }
.Lfunc_end2:
_tile_overlayer_lowered:
.L_overlay_start_2:
0x41: {  	(tag) =	ssettag $0x2  }
0x42: {  	s0 =	rddreg [dreg:$0x0];
	s2 =	stileid.u32  }
0x43: {  	s1 =	rddreg [dreg:$0x1];
	p0 =	sne.s32 s2, $0x0  }
0x44: {  	s3 =	rddreg [dreg:$0x2];
	[bflag:$0x3] =	sbarrier.arrive $0xFFFF;
	s2 =	simm.s32 @!p0 $0x1C03  }
0x45: {  	[timem:s3], [sflag:s2] =	dma.local @!p0 [hbm:s0], s1  }
0x46: {  	s0 =	simm.s32 @!p0 $0x3  }
0x47: {  	_ =	swait.ge @!p0 [sflag:s0], s1  }
0x48: {  	s1 =	ssub.s32 @!p0 $0x0, s1;
	[sflag:s0] =	ssyncset.done @!p0 $0x0  }
0x49: {  	[sflag:s0] =	ssyncadd.s32 @!p0 s1  }
0x4a: {  	[bflag:$0x3] =	sbarrier.arrive $0xFFFF  }
0x4b: {  	_ =	shalt  }

</sc_bundles>
